<compile_context>
chip_gen: v7x
topology: tpu7x:2x2x1
jax: 0.10.2.dev20260603
libtpu: 0.0.44.dev20260713+nightly
codegen_flags: <defaults>
</compile_context>

<pallas_src>
import functools

import jax
import jax.numpy as jnp
from jax import lax
from jax.experimental import pallas as pl
from jax.experimental.pallas import tpu as pltpu
from jax.experimental.pallas import tpu_sc as plsc


def _scores_body(a_ref, k_ref, s_ref):
    a = a_ref[...]
    pooled = jnp.sum(a, axis=1) * (1.0 / a.shape[1])
    s_ref[...] = lax.dot_general(
        pooled, k_ref[...], (((1,), (1,)), ((), ())),
        preferred_element_type=jnp.float32)


def _sc_argmax(scores_flat, b, m):
    mesh = plsc.VectorSubcoreMesh(core_axis_name="c", subcore_axis_name="s")
    info = plsc.get_sparse_core_info()
    nc = info.num_cores

    @functools.partial(
        pl.kernel, mesh=mesh,
        out_type=jax.ShapeDtypeStruct((b * 16,), jnp.int32),
        scratch_types=[
            pltpu.VMEM((m,), jnp.float32),
            pltpu.VMEM((16,), jnp.int32),
        ],
    )
    def amk(scores_hbm, out_hbm, row_v, idx_v):
        wid = lax.axis_index("s") * nc + lax.axis_index("c")

        @pl.when(wid < b)
        def _():
            pltpu.sync_copy(scores_hbm.at[pl.ds(wid * m, m)], row_v)
            lanes = lax.iota(jnp.int32, 16)

            def body(j, carry):
                best, bidx = carry
                v = row_v[pl.ds(j * 16, 16)]
                better = v > best
                best = jnp.where(better, v, best)
                bidx = jnp.where(better, j * 16 + lanes, bidx)
                return best, bidx

            init = (jnp.full((16,), -jnp.inf, jnp.float32),
                    jnp.zeros((16,), jnp.int32))
            best, bidx = lax.fori_loop(0, m // 16, body, init)
            mxv = best
            for k in (8, 4, 2, 1):
                mxv = jnp.maximum(
                    mxv, mxv.at[lanes ^ k].get(mode="promise_in_bounds"))
            cand = jnp.where(best >= mxv, bidx, jnp.int32(m))
            for k in (8, 4, 2, 1):
                cand = jnp.minimum(
                    cand, cand.at[lanes ^ k].get(mode="promise_in_bounds"))
            idx_v[...] = cand
            pltpu.sync_copy(idx_v, out_hbm.at[pl.ds(wid * 16, 16)])

    return amk(scores_flat)


def _make_fuse_body(height, width):
    hw = height * width

    def _fuse_body(idx_sref, t_ref, u_ref, w_ref, pb_ref, gu_ref, ge_ref,
                   gb_ref, mk_ref, o_ref):
        b = pl.program_id(0)
        lane = idx_sref[b] % 128
        panel = t_ref[...]
        lc = panel.shape[0]
        onehot = lax.broadcasted_iota(jnp.int32, (1, 128), 1) == lane
        cols = [jnp.sum(jnp.where(onehot, panel[c], 0.0), axis=1, keepdims=True)
                for c in range(lc)]
        rf = jnp.transpose(jnp.concatenate(cols, axis=1))

        u = u_ref[0]
        parts = []
        for kh in range(3):
            for kw in range(3):
                dy, dx = kh - 1, kw - 1
                s = dy * width + dx
                if s > 0:
                    sh = jnp.concatenate(
                        [rf[:, s:], jnp.zeros((lc, s), jnp.float32)], axis=1)
                elif s < 0:
                    sh = jnp.concatenate(
                        [jnp.zeros((lc, -s), jnp.float32), rf[:, :hw + s]], axis=1)
                else:
                    sh = rf
                if dx == 0:
                    parts.append(sh)
                else:
                    j = 0 if dx < 0 else 1
                    parts.append(sh * mk_ref[j:j + 1, :])
        patches = jnp.concatenate(parts, axis=0)
        pre = lax.dot_general(
            patches, w_ref[...], (((0,), (0,)), ((), ())),
            preferred_element_type=jnp.float32) + pb_ref[...]
        eng = pre * jax.nn.sigmoid(pre)
        g = (lax.dot_general(u, gu_ref[...], (((1,), (0,)), ((), ())),
                             preferred_element_type=jnp.float32)
             + lax.dot_general(eng, ge_ref[...], (((1,), (0,)), ((), ())),
                               preferred_element_type=jnp.float32)
             + gb_ref[...])
        o_ref[0] = u + jax.nn.sigmoid(g) * eng

    return _fuse_body


def kernel(unet_features, audio_features, mem_keys, mem_values,
           proj_W, proj_b, gate_W, gate_b, conf_W, conf_b):
    B, C, H, W = unet_features.shape
    M, D = mem_keys.shape
    LC = mem_values.shape[1]
    HW = H * W

    scores = pl.pallas_call(
        _scores_body,
        out_shape=jax.ShapeDtypeStruct((B, M), jnp.float32),
    )(audio_features, mem_keys)
    idx16 = _sc_argmax(scores.reshape(B * M), B, M)
    idx = lax.optimization_barrier(idx16).reshape(B, 16)[:, 0]

    table_p = mem_values.transpose(1, 2, 3, 0).reshape(LC, HW, M)
    wmat = proj_W.transpose(2, 3, 1, 0).reshape(9 * LC, C)
    pb = proj_b.reshape(1, C)
    gu = gate_W[0, :C, 0, 0].reshape(C, 1)
    ge = gate_W[0, C:, 0, 0].reshape(C, 1)
    gb = gate_b.reshape(1, 1)
    unet_r = unet_features.transpose(0, 2, 3, 1).reshape(B, HW, C)
    xcoord = jnp.arange(HW, dtype=jnp.int32) % W
    masks = jnp.stack([(xcoord >= 1).astype(jnp.float32),
                       (xcoord < W - 1).astype(jnp.float32)], axis=0)

    grid_spec = pltpu.PrefetchScalarGridSpec(
        num_scalar_prefetch=1,
        grid=(B,),
        in_specs=[
            pl.BlockSpec((LC, HW, 128),
                         lambda b, idx_ref: (0, 0, idx_ref[b] // 128)),
            pl.BlockSpec((1, HW, C), lambda b, idx_ref: (b, 0, 0)),
            pl.BlockSpec((9 * LC, C), lambda b, idx_ref: (0, 0)),
            pl.BlockSpec((1, C), lambda b, idx_ref: (0, 0)),
            pl.BlockSpec((C, 1), lambda b, idx_ref: (0, 0)),
            pl.BlockSpec((C, 1), lambda b, idx_ref: (0, 0)),
            pl.BlockSpec((1, 1), lambda b, idx_ref: (0, 0)),
            pl.BlockSpec((2, HW), lambda b, idx_ref: (0, 0)),
        ],
        out_specs=pl.BlockSpec((1, HW, C), lambda b, idx_ref: (b, 0, 0)),
    )
    out = pl.pallas_call(
        _make_fuse_body(H, W),
        grid_spec=grid_spec,
        out_shape=jax.ShapeDtypeStruct((B, HW, C), jnp.float32),
    )(idx, table_p, unet_r, wmat, pb, gu, ge, gb, masks)

    return out.reshape(B, H, W, C).transpose(0, 3, 1, 2)

# --- scband reference (transcript-rebuilt; emitter-appended) ---
"""Pipeline reference for scband-engram-module-48524540510837 (READ-ONLY COPY).

The authoritative reference and input builder live on the scoring server;
editing this copy changes nothing except your own understanding.
"""

import jax, jax.numpy as jnp
import numpy as np


def _conv(x, w, b, pad):
    y = jax.lax.conv_general_dilated(
        x, w, window_strides=(1, 1),
        padding=[(pad, pad), (pad, pad)],
        dimension_numbers=('NCHW', 'OIHW', 'NCHW'))
    return y + b[None, :, None, None]


def setup_inputs(seed: int = 0) -> dict:
    key = jax.random.key(seed)
    ks = jax.random.split(key, 10)
    B, C, H, W = 32, 320, 32, 32
    T, D = 200, 384
    M, LC, LS = 10000, 4, 32
    return {
        'unet_features': jax.random.normal(ks[0], (B, C, H, W), dtype=jnp.float32),
        'audio_features': jax.random.normal(ks[1], (B, T, D), dtype=jnp.float32),
        'mem_keys': jax.random.normal(ks[2], (M, D), dtype=jnp.float32),
        'mem_values': jax.random.normal(ks[3], (M, LC, LS, LS), dtype=jnp.float32),
        'proj_W': jax.random.normal(ks[4], (C, LC, 3, 3), dtype=jnp.float32) * 0.05,
        'proj_b': jnp.zeros((C,), dtype=jnp.float32),
        'gate_W': jax.random.normal(ks[5], (1, 2 * C, 1, 1), dtype=jnp.float32) * 0.05,
        'gate_b': jnp.full((1,), -2.0, dtype=jnp.float32),
        'conf_W': jax.random.normal(ks[6], (1, D), dtype=jnp.float32) * 0.05,
        'conf_b': jnp.zeros((1,), dtype=jnp.float32),
    }


def reference(unet_features, audio_features, mem_keys, mem_values,
              proj_W, proj_b, gate_W, gate_b, conf_W, conf_b):
    # audio pooling + confidence head (computed as in torch forward)
    audio_pooled = audio_features.mean(axis=1)  # [B, D]
    confidence = jax.nn.sigmoid(audio_pooled @ conf_W.T + conf_b[None, :]).squeeze(-1)
    # batched memory retrieval: exact 1-NN over the memory bank
    scores = audio_pooled @ mem_keys.T  # [B, M]
    idx = jnp.argmax(scores, axis=-1)   # [B]
    retrieved = jnp.take(mem_values, idx, axis=0)  # [B, LC, LS, LS]
    # latent_size == H == W, so no interpolation needed
    engram = jax.nn.silu(_conv(retrieved, proj_W, proj_b, 1))
    combined = jnp.concatenate([unet_features, engram], axis=1)
    gate = jax.nn.sigmoid(_conv(combined, gate_W, gate_b, 0))
    output = unet_features + gate * engram
    # return_confidence=False path: return only the enhanced features
    del confidence
    return output

if __name__ == "__main__":
    import jax
    _d = setup_inputs()
    print(jax.jit(kernel)(*tuple(_d.values())))

</pallas_src>

<mosaic_0001>
#map = affine_map<(d0, d1) -> (0)>
module attributes {stable_mosaic.version = 14 : i64} {
  func.func @amk(%arg0: i32, %arg1: i32, %arg2: memref<320000xf32, #tpu.memory_space<hbm>>, %arg3: memref<512xi32, #tpu.memory_space<hbm>>, %arg4: memref<10000xf32, #tpu.memory_space<vmem>>, %arg5: memref<16xi32, #tpu.memory_space<vmem>>) attributes {dimension_semantics = [#tpu.dimension_semantics<core_parallel>, #tpu.dimension_semantics<subcore_parallel>], iteration_bounds = array<i64: 2, 16>, scalar_prefetch = 0 : i64, scratch_operands = 2 : i64, tpu.core_type = #tpu.core_type<sc_vector_subcore>, window_params = [{transform_indices = #map}, {transform_indices = #map}]} {
    %mul3A = arith.constant 2 : i32
    %mul3A_0 = arith.muli %arg1, %mul3A : i32
    %add3A = arith.addi %mul3A_0, %arg0 : i32
    %lt3A = arith.constant 32 : i32
    %lt3A_1 = arith.cmpi slt, %add3A, %lt3A : i32
    %convert_element_type3A = arith.extui %lt3A_1 : i1 to i32
    %cond3A = arith.constant 0 : i32
    %cond3A_2 = arith.cmpi ne, %convert_element_type3A, %cond3A : i32
    scf.if %cond3A_2 {
      %mul3A_3 = arith.constant 10000 : i32
      %mul3A_4 = arith.muli %add3A, %mul3A_3 : i32
      "tpu.region"() ({
        %run_scoped3A = tpu.sem_alloc : memref<!tpu.dma_semaphore, #tpu.memory_space<semaphore_mem>>
        %dma_start3A = tpu.memref_slice %arg2[%mul3A_4] : memref<320000xf32, #tpu.memory_space<hbm>> -> memref<10000xf32, #tpu.memory_space<hbm>>
        %dma_start3A_127 = tpu.memref_slice %arg2[%mul3A_4] : memref<320000xf32, #tpu.memory_space<hbm>> -> memref<10000xf32, #tpu.memory_space<hbm>>
        tpu.enqueue_dma source(%dma_start3A_127 : memref<10000xf32, #tpu.memory_space<hbm>>) target(%arg4 : memref<10000xf32, #tpu.memory_space<vmem>>) target_semaphore(%run_scoped3A : memref<!tpu.dma_semaphore, #tpu.memory_space<semaphore_mem>>)
        %dma_wait3A = tpu.memref_slice %arg2[%mul3A_4] : memref<320000xf32, #tpu.memory_space<hbm>> -> memref<10000xf32, #tpu.memory_space<hbm>>
        %dma_wait3A_128 = tpu.memref_slice %arg2[%mul3A_4] : memref<320000xf32, #tpu.memory_space<hbm>> -> memref<10000xf32, #tpu.memory_space<hbm>>
        tpu.wait_dma2 semaphore(%run_scoped3A : memref<!tpu.dma_semaphore, #tpu.memory_space<semaphore_mem>>) src(%dma_wait3A_128 : memref<10000xf32, #tpu.memory_space<hbm>>) dst(%arg4 : memref<10000xf32, #tpu.memory_space<vmem>>)
        tpu.yield
      }) : () -> ()
      %iota3A = tpu.iota {dimensions = array<i32: 0>} : vector<16xi32>
      %broadcast_in_dim3A = arith.constant 0xFF800000 : f32
      %broadcast_in_dim3A_5 = vector.broadcast %broadcast_in_dim3A : f32 to vector<16xf32>
      %broadcast_in_dim3A_6 = arith.constant 0 : i32
      %broadcast_in_dim3A_7 = vector.broadcast %broadcast_in_dim3A_6 : i32 to vector<16xi32>
      %scan3A = arith.constant 0 : i32
      %scan3A_8 = arith.constant 625 : i32
      %scan3A_9 = arith.addi %scan3A, %scan3A_8 : i32
      %scan3A_10 = arith.constant 1 : i32
      %scan3A_11:2 = scf.for %scan3A_127 = %scan3A to %scan3A_9 step %scan3A_10 iter_args(%scan3A_128 = %broadcast_in_dim3A_5, %scan3A_129 = %broadcast_in_dim3A_7) -> (vector<16xf32>, vector<16xi32>)  : i32 {
        %mul3A_130 = arith.constant 16 : i32
        %mul3A_131 = arith.muli %scan3A_127, %mul3A_130 : i32
        %get3A = arith.index_cast %mul3A_131 : i32 to index
        %get3A_132 = tpu.vector_load %arg4[%get3A] {strides = array<i32>} : memref<10000xf32, #tpu.memory_space<vmem>>, vector<16xf32>,
        %get3A_133 = vector.shape_cast %get3A_132 : vector<16xf32> to vector<16xf32>
        %gt3A = arith.cmpf ogt, %get3A_133, %scan3A_128 : vector<16xf32>
        %select_n3A_134 = arith.select %gt3A, %get3A_133, %scan3A_128 : vector<16xi1>, vector<16xf32>
        %mul3A_135 = arith.constant 16 : i32
        %mul3A_136 = arith.muli %scan3A_127, %mul3A_135 : i32
        %add3A_137 = vector.broadcast %mul3A_136 : i32 to vector<16xi32>
        %add3A_138 = arith.addi %add3A_137, %iota3A : vector<16xi32>
        %select_n3A_139 = arith.select %gt3A, %add3A_138, %scan3A_129 : vector<16xi1>, vector<16xi32>
        scf.yield %select_n3A_134, %select_n3A_139 : vector<16xf32>, vector<16xi32>
      }
      %scan3A_12 = arith.constant 625 : i32
      %xor3A = arith.constant 8 : i32
      %xor3A_13 = vector.broadcast %xor3A : i32 to vector<16xi32>
      %xor3A_14 = arith.xori %iota3A, %xor3A_13 : vector<16xi32>
      %lt3A_15 = arith.constant 0 : i32
      %lt3A_16 = vector.broadcast %lt3A_15 : i32 to vector<16xi32>
      %lt3A_17 = arith.cmpi slt, %xor3A_14, %lt3A_16 : vector<16xi32>
      %add3A_18 = arith.constant 16 : i32
      %add3A_19 = vector.broadcast %add3A_18 : i32 to vector<16xi32>
      %add3A_20 = arith.addi %xor3A_14, %add3A_19 : vector<16xi32>
      %select_n3A = arith.select %lt3A_17, %add3A_20, %xor3A_14 : vector<16xi1>, vector<16xi32>
      %broadcast_in_dim3A_21 = vector.shape_cast %select_n3A : vector<16xi32> to vector<16x1xi32>
      %gather3A = vector.shape_cast %broadcast_in_dim3A_21 : vector<16x1xi32> to vector<16xi32>
      %gather3A_22 = tpu.dynamic_gather %scan3A_11#0[%gather3A] in [0] : vector<16xf32>, vector<16xi32> -> vector<16xf32>
      %max3A = arith.maximumf %scan3A_11#0, %gather3A_22 : vector<16xf32>
      %xor3A_23 = arith.constant 4 : i32
      %xor3A_24 = vector.broadcast %xor3A_23 : i32 to vector<16xi32>
      %xor3A_25 = arith.xori %iota3A, %xor3A_24 : vector<16xi32>
      %lt3A_26 = arith.constant 0 : i32
      %lt3A_27 = vector.broadcast %lt3A_26 : i32 to vector<16xi32>
      %lt3A_28 = arith.cmpi slt, %xor3A_25, %lt3A_27 : vector<16xi32>
      %add3A_29 = arith.constant 16 : i32
      %add3A_30 = vector.broadcast %add3A_29 : i32 to vector<16xi32>
      %add3A_31 = arith.addi %xor3A_25, %add3A_30 : vector<16xi32>
      %select_n3A_32 = arith.select %lt3A_28, %add3A_31, %xor3A_25 : vector<16xi1>, vector<16xi32>
      %broadcast_in_dim3A_33 = vector.shape_cast %select_n3A_32 : vector<16xi32> to vector<16x1xi32>
      %gather3A_34 = vector.shape_cast %broadcast_in_dim3A_33 : vector<16x1xi32> to vector<16xi32>
      %gather3A_35 = tpu.dynamic_gather %max3A[%gather3A_34] in [0] : vector<16xf32>, vector<16xi32> -> vector<16xf32>
      %max3A_36 = arith.maximumf %max3A, %gather3A_35 : vector<16xf32>
      %xor3A_37 = arith.constant 2 : i32
      %xor3A_38 = vector.broadcast %xor3A_37 : i32 to vector<16xi32>
      %xor3A_39 = arith.xori %iota3A, %xor3A_38 : vector<16xi32>
      %lt3A_40 = arith.constant 0 : i32
      %lt3A_41 = vector.broadcast %lt3A_40 : i32 to vector<16xi32>
      %lt3A_42 = arith.cmpi slt, %xor3A_39, %lt3A_41 : vector<16xi32>
      %add3A_43 = arith.constant 16 : i32
      %add3A_44 = vector.broadcast %add3A_43 : i32 to vector<16xi32>
      %add3A_45 = arith.addi %xor3A_39, %add3A_44 : vector<16xi32>
      %select_n3A_46 = arith.select %lt3A_42, %add3A_45, %xor3A_39 : vector<16xi1>, vector<16xi32>
      %broadcast_in_dim3A_47 = vector.shape_cast %select_n3A_46 : vector<16xi32> to vector<16x1xi32>
      %gather3A_48 = vector.shape_cast %broadcast_in_dim3A_47 : vector<16x1xi32> to vector<16xi32>
      %gather3A_49 = tpu.dynamic_gather %max3A_36[%gather3A_48] in [0] : vector<16xf32>, vector<16xi32> -> vector<16xf32>
      %max3A_50 = arith.maximumf %max3A_36, %gather3A_49 : vector<16xf32>
      %xor3A_51 = arith.constant 1 : i32
      %xor3A_52 = vector.broadcast %xor3A_51 : i32 to vector<16xi32>
      %xor3A_53 = arith.xori %iota3A, %xor3A_52 : vector<16xi32>
      %lt3A_54 = arith.constant 0 : i32
      %lt3A_55 = vector.broadcast %lt3A_54 : i32 to vector<16xi32>
      %lt3A_56 = arith.cmpi slt, %xor3A_53, %lt3A_55 : vector<16xi32>
      %add3A_57 = arith.constant 16 : i32
      %add3A_58 = vector.broadcast %add3A_57 : i32 to vector<16xi32>
      %add3A_59 = arith.addi %xor3A_53, %add3A_58 : vector<16xi32>
      %select_n3A_60 = arith.select %lt3A_56, %add3A_59, %xor3A_53 : vector<16xi1>, vector<16xi32>
      %broadcast_in_dim3A_61 = vector.shape_cast %select_n3A_60 : vector<16xi32> to vector<16x1xi32>
      %gather3A_62 = vector.shape_cast %broadcast_in_dim3A_61 : vector<16x1xi32> to vector<16xi32>
      %gather3A_63 = tpu.dynamic_gather %max3A_50[%gather3A_62] in [0] : vector<16xf32>, vector<16xi32> -> vector<16xf32>
      %max3A_64 = arith.maximumf %max3A_50, %gather3A_63 : vector<16xf32>
      %ge3A = arith.cmpf oge, %scan3A_11#0, %max3A_64 : vector<16xf32>
      %jit3A = arith.constant 10000 : i32
      %broadcast_in_dim3A_65 = vector.broadcast %jit3A : i32 to vector<16xi32>
      %select_n3A_66 = arith.select %ge3A, %scan3A_11#1, %broadcast_in_dim3A_65 : vector<16xi1>, vector<16xi32>
      %xor3A_67 = arith.constant 8 : i32
      %xor3A_68 = vector.broadcast %xor3A_67 : i32 to vector<16xi32>
      %xor3A_69 = arith.xori %iota3A, %xor3A_68 : vector<16xi32>
      %lt3A_70 = arith.constant 0 : i32
      %lt3A_71 = vector.broadcast %lt3A_70 : i32 to vector<16xi32>
      %lt3A_72 = arith.cmpi slt, %xor3A_69, %lt3A_71 : vector<16xi32>
      %add3A_73 = arith.constant 16 : i32
      %add3A_74 = vector.broadcast %add3A_73 : i32 to vector<16xi32>
      %add3A_75 = arith.addi %xor3A_69, %add3A_74 : vector<16xi32>
      %select_n3A_76 = arith.select %lt3A_72, %add3A_75, %xor3A_69 : vector<16xi1>, vector<16xi32>
      %broadcast_in_dim3A_77 = vector.shape_cast %select_n3A_76 : vector<16xi32> to vector<16x1xi32>
      %gather3A_78 = vector.shape_cast %broadcast_in_dim3A_77 : vector<16x1xi32> to vector<16xi32>
      %gather3A_79 = tpu.dynamic_gather %select_n3A_66[%gather3A_78] in [0] : vector<16xi32>, vector<16xi32> -> vector<16xi32>
      %min3A = arith.minsi %select_n3A_66, %gather3A_79 : vector<16xi32>
      %xor3A_80 = arith.constant 4 : i32
      %xor3A_81 = vector.broadcast %xor3A_80 : i32 to vector<16xi32>
      %xor3A_82 = arith.xori %iota3A, %xor3A_81 : vector<16xi32>
      %lt3A_83 = arith.constant 0 : i32
      %lt3A_84 = vector.broadcast %lt3A_83 : i32 to vector<16xi32>
      %lt3A_85 = arith.cmpi slt, %xor3A_82, %lt3A_84 : vector<16xi32>
      %add3A_86 = arith.constant 16 : i32
      %add3A_87 = vector.broadcast %add3A_86 : i32 to vector<16xi32>
      %add3A_88 = arith.addi %xor3A_82, %add3A_87 : vector<16xi32>
      %select_n3A_89 = arith.select %lt3A_85, %add3A_88, %xor3A_82 : vector<16xi1>, vector<16xi32>
      %broadcast_in_dim3A_90 = vector.shape_cast %select_n3A_89 : vector<16xi32> to vector<16x1xi32>
      %gather3A_91 = vector.shape_cast %broadcast_in_dim3A_90 : vector<16x1xi32> to vector<16xi32>
      %gather3A_92 = tpu.dynamic_gather %min3A[%gather3A_91] in [0] : vector<16xi32>, vector<16xi32> -> vector<16xi32>
      %min3A_93 = arith.minsi %min3A, %gather3A_92 : vector<16xi32>
      %xor3A_94 = arith.constant 2 : i32
      %xor3A_95 = vector.broadcast %xor3A_94 : i32 to vector<16xi32>
      %xor3A_96 = arith.xori %iota3A, %xor3A_95 : vector<16xi32>
      %lt3A_97 = arith.constant 0 : i32
      %lt3A_98 = vector.broadcast %lt3A_97 : i32 to vector<16xi32>
      %lt3A_99 = arith.cmpi slt, %xor3A_96, %lt3A_98 : vector<16xi32>
      %add3A_100 = arith.constant 16 : i32
      %add3A_101 = vector.broadcast %add3A_100 : i32 to vector<16xi32>
      %add3A_102 = arith.addi %xor3A_96, %add3A_101 : vector<16xi32>
      %select_n3A_103 = arith.select %lt3A_99, %add3A_102, %xor3A_96 : vector<16xi1>, vector<16xi32>
      %broadcast_in_dim3A_104 = vector.shape_cast %select_n3A_103 : vector<16xi32> to vector<16x1xi32>
      %gather3A_105 = vector.shape_cast %broadcast_in_dim3A_104 : vector<16x1xi32> to vector<16xi32>
      %gather3A_106 = tpu.dynamic_gather %min3A_93[%gather3A_105] in [0] : vector<16xi32>, vector<16xi32> -> vector<16xi32>
      %min3A_107 = arith.minsi %min3A_93, %gather3A_106 : vector<16xi32>
      %xor3A_108 = arith.constant 1 : i32
      %xor3A_109 = vector.broadcast %xor3A_108 : i32 to vector<16xi32>
      %xor3A_110 = arith.xori %iota3A, %xor3A_109 : vector<16xi32>
      %lt3A_111 = arith.constant 0 : i32
      %lt3A_112 = vector.broadcast %lt3A_111 : i32 to vector<16xi32>
      %lt3A_113 = arith.cmpi slt, %xor3A_110, %lt3A_112 : vector<16xi32>
      %add3A_114 = arith.constant 16 : i32
      %add3A_115 = vector.broadcast %add3A_114 : i32 to vector<16xi32>
      %add3A_116 = arith.addi %xor3A_110, %add3A_115 : vector<16xi32>
      %select_n3A_117 = arith.select %lt3A_113, %add3A_116, %xor3A_110 : vector<16xi1>, vector<16xi32>
      %broadcast_in_dim3A_118 = vector.shape_cast %select_n3A_117 : vector<16xi32> to vector<16x1xi32>
      %gather3A_119 = vector.shape_cast %broadcast_in_dim3A_118 : vector<16x1xi32> to vector<16xi32>
      %gather3A_120 = tpu.dynamic_gather %min3A_107[%gather3A_119] in [0] : vector<16xi32>, vector<16xi32> -> vector<16xi32>
      %min3A_121 = arith.minsi %min3A_107, %gather3A_120 : vector<16xi32>
      %swap3A = arith.constant 0 : index
      %swap3A_122 = tpu.vector_load %arg5[%swap3A] {strides = array<i32>} : memref<16xi32, #tpu.memory_space<vmem>>, vector<16xi32>,
      %swap3A_123 = vector.shape_cast %swap3A_122 : vector<16xi32> to vector<16xi32>
      %swap3A_124 = vector.shape_cast %min3A_121 : vector<16xi32> to vector<16xi32>
      tpu.vector_store %arg5[%swap3A], %swap3A_124 {strides = array<i32>} : memref<16xi32, #tpu.memory_space<vmem>>, vector<16xi32>,
      %mul3A_125 = arith.constant 16 : i32
      %mul3A_126 = arith.muli %add3A, %mul3A_125 : i32
      "tpu.region"() ({
        %run_scoped3A = tpu.sem_alloc : memref<!tpu.dma_semaphore, #tpu.memory_space<semaphore_mem>>
        %dma_start3A = tpu.memref_slice %arg3[%mul3A_126] : memref<512xi32, #tpu.memory_space<hbm>> -> memref<16xi32, #tpu.memory_space<hbm>>
        %dma_start3A_127 = tpu.memref_slice %arg3[%mul3A_126] : memref<512xi32, #tpu.memory_space<hbm>> -> memref<16xi32, #tpu.memory_space<hbm>>
        tpu.enqueue_dma source(%arg5 : memref<16xi32, #tpu.memory_space<vmem>>) target(%dma_start3A_127 : memref<16xi32, #tpu.memory_space<hbm>>) target_semaphore(%run_scoped3A : memref<!tpu.dma_semaphore, #tpu.memory_space<semaphore_mem>>)
        %dma_wait3A = tpu.memref_slice %arg3[%mul3A_126] : memref<512xi32, #tpu.memory_space<hbm>> -> memref<16xi32, #tpu.memory_space<hbm>>
        %dma_wait3A_128 = tpu.memref_slice %arg3[%mul3A_126] : memref<512xi32, #tpu.memory_space<hbm>> -> memref<16xi32, #tpu.memory_space<hbm>>
        tpu.wait_dma2 semaphore(%run_scoped3A : memref<!tpu.dma_semaphore, #tpu.memory_space<semaphore_mem>>) src(%arg5 : memref<16xi32, #tpu.memory_space<vmem>>) dst(%dma_wait3A_128 : memref<16xi32, #tpu.memory_space<hbm>>)
        tpu.yield
      }) : () -> ()
    } else {
    }
    return
  }
}

module attributes {stable_mosaic.version = 14 : i64} {
  func.func @_scores_body(%arg0: memref<32x200x384xf32, #tpu.memory_space<vmem>>, %arg1: memref<10000x384xf32, #tpu.memory_space<vmem>>, %arg2: memref<32x10000xf32, #tpu.memory_space<vmem>>) attributes {dimension_semantics = [], scalar_prefetch = 0 : i64, scratch_operands = 0 : i64, tpu.core_type = #tpu.core_type<tc>} {
    %get3A = arith.constant 0 : index
    %get3A_0 = arith.constant 0 : index
    %get3A_1 = arith.constant 0 : index
    %get3A_2 = vector.load %arg0[%get3A, %get3A_0, %get3A_1] : memref<32x200x384xf32, #tpu.memory_space<vmem>>, vector<32x200x384xf32>
    %reduce_sum3A = arith.constant dense<0.000000e+00> : vector<32x384xf32>
    %reduce_sum3A_3 = vector.multi_reduction <add>, %get3A_2, %reduce_sum3A [1] : vector<32x200x384xf32> to vector<32x384xf32>
    %mul3A = arith.constant 5.000000e-03 : f32
    %mul3A_4 = vector.broadcast %mul3A : f32 to vector<32x384xf32>
    %mul3A_5 = arith.mulf %reduce_sum3A_3, %mul3A_4 : vector<32x384xf32>
    %get3A_6 = arith.constant 0 : index
    %get3A_7 = arith.constant 0 : index
    %get3A_8 = vector.load %arg1[%get3A_6, %get3A_7] : memref<10000x384xf32, #tpu.memory_space<vmem>>, vector<10000x384xf32>
    %dot_general3A = arith.constant dense<0.000000e+00> : vector<32x10000xf32>
    %dot_general3A_9 = tpu.matmul %mul3A_5, %get3A_8, %dot_general3A {dimension_numbers = #tpu.dot_dimension_numbers<[1], [1], [0], [0], [0, 0, 1, 0], [], []>, transpose_lhs_hint = false} : vector<32x384xf32>, vector<10000x384xf32>, vector<32x10000xf32> -> vector<32x10000xf32>
    %swap3A = arith.constant 0 : index
    %swap3A_10 = arith.constant 0 : index
    %swap3A_11 = vector.load %arg2[%swap3A, %swap3A_10] : memref<32x10000xf32, #tpu.memory_space<vmem>>, vector<32x10000xf32>
    tpu.vector_store %arg2[%swap3A, %swap3A_10], %dot_general3A_9 {strides = array<i32>} : memref<32x10000xf32, #tpu.memory_space<vmem>>, vector<32x10000xf32>,
    return
  }
}

module attributes {stable_mosaic.version = 14 : i64} {
  func.func @_fuse_body(%arg0: i32, %arg1: memref<32xi32, #tpu.memory_space<smem>>, %arg2: memref<4x1024x128xf32, #tpu.memory_space<vmem>>, %arg3: memref<1x1024x320xf32, #tpu.memory_space<vmem>>, %arg4: memref<36x320xf32, #tpu.memory_space<vmem>>, %arg5: memref<1x320xf32, #tpu.memory_space<vmem>>, %arg6: memref<320x1xf32, #tpu.memory_space<vmem>>, %arg7: memref<320x1xf32, #tpu.memory_space<vmem>>, %arg8: memref<1x1xf32, #tpu.memory_space<vmem>>, %arg9: memref<2x1024xf32, #tpu.memory_space<vmem>>, %arg10: memref<1x1024x320xf32, #tpu.memory_space<vmem>>) attributes {dimension_semantics = [#tpu.dimension_semantics<arbitrary>], iteration_bounds = array<i64: 32>, scalar_prefetch = 1 : i64, scratch_operands = 0 : i64, tpu.core_type = #tpu.core_type<tc>, window_params = [{transform_indices = @transform_0, window_bounds = array<i64: 4, 1024, 128>}, {transform_indices = @transform_1, window_bounds = array<i64: 1, 1024, 320>}, {pipeline_mode = #tpu.pipeline_mode<synchronous>, transform_indices = @transform_2, window_bounds = array<i64: 36, 320>}, {pipeline_mode = #tpu.pipeline_mode<synchronous>, transform_indices = @transform_3, window_bounds = array<i64: 1, 320>}, {pipeline_mode = #tpu.pipeline_mode<synchronous>, transform_indices = @transform_4, window_bounds = array<i64: 320, 1>}, {pipeline_mode = #tpu.pipeline_mode<synchronous>, transform_indices = @transform_5, window_bounds = array<i64: 320, 1>}, {pipeline_mode = #tpu.pipeline_mode<synchronous>, transform_indices = @transform_6, window_bounds = array<i64: 1, 1>}, {pipeline_mode = #tpu.pipeline_mode<synchronous>, transform_indices = @transform_7, window_bounds = array<i64: 2, 1024>}, {transform_indices = @transform_8, window_bounds = array<i64: 1, 1024, 320>}]} {
    %get3A = arith.index_cast %arg0 : i32 to index
    %get3A_0 = memref.load %arg1[%get3A] : memref<32xi32, #tpu.memory_space<smem>>
    %jit3A = arith.constant 128 : i32
    %eq3A = arith.constant 0 : i32
    %eq3A_1 = arith.cmpi eq, %jit3A, %eq3A : i32
    %jit3A_2 = arith.constant 1 : i32
    %select_n3A = arith.select %eq3A_1, %jit3A_2, %jit3A : i32
    %rem3A = arith.remsi %get3A_0, %select_n3A : i32
    %ne3A = arith.constant 0 : i32
    %ne3A_3 = arith.cmpi ne, %rem3A, %ne3A : i32
    %lt3A = arith.constant 0 : i32
    %lt3A_4 = arith.cmpi slt, %rem3A, %lt3A : i32
    %lt3A_5 = arith.constant 0 : i32
    %lt3A_6 = arith.cmpi slt, %select_n3A, %lt3A_5 : i32
    %ne3A_7 = arith.xori %lt3A_4, %lt3A_6 : i1
    %and3A = arith.andi %ne3A_7, %ne3A_3 : i1
    %add3A = arith.addi %rem3A, %select_n3A : i32
    %select_n3A_8 = arith.select %and3A, %add3A, %rem3A : i32
    %get3A_9 = arith.constant 0 : index
    %get3A_10 = arith.constant 0 : index
    %get3A_11 = arith.constant 0 : index
    %get3A_12 = vector.load %arg2[%get3A_9, %get3A_10, %get3A_11] : memref<4x1024x128xf32, #tpu.memory_space<vmem>>, vector<4x1024x128xf32>
    %iota3A = tpu.iota {dimensions = array<i32: 1>} : vector<1x128xi32>
    %eq3A_13 = vector.broadcast %select_n3A_8 : i32 to vector<1x128xi32>
    %eq3A_14 = arith.cmpi eq, %iota3A, %eq3A_13 : vector<1x128xi32>
    %slice3A = vector.extract_strided_slice %get3A_12 {offsets = [0, 0, 0], sizes = [1, 1024, 128], strides = [1, 1, 1]} : vector<4x1024x128xf32> to vector<1x1024x128xf32>
    %squeeze3A = vector.shape_cast %slice3A : vector<1x1024x128xf32> to vector<1024x128xf32>
    %jit3A_15 = arith.constant 0.000000e+00 : f32
    %broadcast_in_dim3A = vector.shape_cast %eq3A_14 : vector<1x128xi1> to vector<1x128xi1>
    %broadcast_in_dim3A_16 = vector.broadcast %broadcast_in_dim3A : vector<1x128xi1> to vector<1024x128xi1>
    %broadcast_in_dim3A_17 = vector.broadcast %jit3A_15 : f32 to vector<1024x128xf32>
    %select_n3A_18 = arith.select %broadcast_in_dim3A_16, %squeeze3A, %broadcast_in_dim3A_17 : vector<1024x128xi1>, vector<1024x128xf32>
    %reduce_sum3A = arith.constant dense<0.000000e+00> : vector<1024xf32>
    %reduce_sum3A_19 = vector.multi_reduction <add>, %select_n3A_18, %reduce_sum3A [1] : vector<1024x128xf32> to vector<1024xf32>
    %broadcast_in_dim3A_20 = vector.shape_cast %reduce_sum3A_19 : vector<1024xf32> to vector<1024x1xf32>
    %slice3A_21 = vector.extract_strided_slice %get3A_12 {offsets = [1, 0, 0], sizes = [1, 1024, 128], strides = [1, 1, 1]} : vector<4x1024x128xf32> to vector<1x1024x128xf32>
    %squeeze3A_22 = vector.shape_cast %slice3A_21 : vector<1x1024x128xf32> to vector<1024x128xf32>
    %jit3A_23 = arith.constant 0.000000e+00 : f32
    %broadcast_in_dim3A_24 = vector.shape_cast %eq3A_14 : vector<1x128xi1> to vector<1x128xi1>
    %broadcast_in_dim3A_25 = vector.broadcast %broadcast_in_dim3A_24 : vector<1x128xi1> to vector<1024x128xi1>
    %broadcast_in_dim3A_26 = vector.broadcast %jit3A_23 : f32 to vector<1024x128xf32>
    %select_n3A_27 = arith.select %broadcast_in_dim3A_25, %squeeze3A_22, %broadcast_in_dim3A_26 : vector<1024x128xi1>, vector<1024x128xf32>
    %reduce_sum3A_28 = arith.constant dense<0.000000e+00> : vector<1024xf32>
    %reduce_sum3A_29 = vector.multi_reduction <add>, %select_n3A_27, %reduce_sum3A_28 [1] : vector<1024x128xf32> to vector<1024xf32>
    %broadcast_in_dim3A_30 = vector.shape_cast %reduce_sum3A_29 : vector<1024xf32> to vector<1024x1xf32>
    %slice3A_31 = vector.extract_strided_slice %get3A_12 {offsets = [2, 0, 0], sizes = [1, 1024, 128], strides = [1, 1, 1]} : vector<4x1024x128xf32> to vector<1x1024x128xf32>
    %squeeze3A_32 = vector.shape_cast %slice3A_31 : vector<1x1024x128xf32> to vector<1024x128xf32>
    %jit3A_33 = arith.constant 0.000000e+00 : f32
    %broadcast_in_dim3A_34 = vector.shape_cast %eq3A_14 : vector<1x128xi1> to vector<1x128xi1>
    %broadcast_in_dim3A_35 = vector.broadcast %broadcast_in_dim3A_34 : vector<1x128xi1> to vector<1024x128xi1>
    %broadcast_in_dim3A_36 = vector.broadcast %jit3A_33 : f32 to vector<1024x128xf32>
    %select_n3A_37 = arith.select %broadcast_in_dim3A_35, %squeeze3A_32, %broadcast_in_dim3A_36 : vector<1024x128xi1>, vector<1024x128xf32>
    %reduce_sum3A_38 = arith.constant dense<0.000000e+00> : vector<1024xf32>
    %reduce_sum3A_39 = vector.multi_reduction <add>, %select_n3A_37, %reduce_sum3A_38 [1] : vector<1024x128xf32> to vector<1024xf32>
    %broadcast_in_dim3A_40 = vector.shape_cast %reduce_sum3A_39 : vector<1024xf32> to vector<1024x1xf32>
    %slice3A_41 = vector.extract_strided_slice %get3A_12 {offsets = [3, 0, 0], sizes = [1, 1024, 128], strides = [1, 1, 1]} : vector<4x1024x128xf32> to vector<1x1024x128xf32>
    %squeeze3A_42 = vector.shape_cast %slice3A_41 : vector<1x1024x128xf32> to vector<1024x128xf32>
    %jit3A_43 = arith.constant 0.000000e+00 : f32
    %broadcast_in_dim3A_44 = vector.shape_cast %eq3A_14 : vector<1x128xi1> to vector<1x128xi1>
    %broadcast_in_dim3A_45 = vector.broadcast %broadcast_in_dim3A_44 : vector<1x128xi1> to vector<1024x128xi1>
    %broadcast_in_dim3A_46 = vector.broadcast %jit3A_43 : f32 to vector<1024x128xf32>
    %select_n3A_47 = arith.select %broadcast_in_dim3A_45, %squeeze3A_42, %broadcast_in_dim3A_46 : vector<1024x128xi1>, vector<1024x128xf32>
    %reduce_sum3A_48 = arith.constant dense<0.000000e+00> : vector<1024xf32>
    %reduce_sum3A_49 = vector.multi_reduction <add>, %select_n3A_47, %reduce_sum3A_48 [1] : vector<1024x128xf32> to vector<1024xf32>
    %broadcast_in_dim3A_50 = vector.shape_cast %reduce_sum3A_49 : vector<1024xf32> to vector<1024x1xf32>
    %concatenate3A = tpu.concatenate %broadcast_in_dim3A_20, %broadcast_in_dim3A_30, %broadcast_in_dim3A_40, %broadcast_in_dim3A_50 in 1 : vector<1024x1xf32>, vector<1024x1xf32>, vector<1024x1xf32>, vector<1024x1xf32> -> vector<1024x4xf32>
    %transpose3A = tpu.transpose %concatenate3A, [1, 0] : vector<1024x4xf32> -> vector<4x1024xf32>
    %get3A_51 = arith.constant 0 : index
    %get3A_52 = arith.constant 0 : index
    %get3A_53 = arith.constant 0 : index
    %get3A_54 = vector.load %arg3[%get3A_51, %get3A_52, %get3A_53] : memref<1x1024x320xf32, #tpu.memory_space<vmem>>, vector<1x1024x320xf32>
    %get3A_55 = vector.shape_cast %get3A_54 : vector<1x1024x320xf32> to vector<1024x320xf32>
    %broadcast_in_dim3A_56 = arith.constant 0.000000e+00 : f32
    %broadcast_in_dim3A_57 = vector.broadcast %broadcast_in_dim3A_56 : f32 to vector<4x33xf32>
    %slice3A_58 = vector.extract_strided_slice %transpose3A {offsets = [0, 0], sizes = [4, 991], strides = [1, 1]} : vector<4x1024xf32> to vector<4x991xf32>
    %concatenate3A_59 = tpu.concatenate %broadcast_in_dim3A_57, %slice3A_58 in 1 : vector<4x33xf32>, vector<4x991xf32> -> vector<4x1024xf32>
    %get3A_60 = arith.constant 0 : index
    %get3A_61 = arith.constant 0 : index
    %get3A_62 = vector.load %arg9[%get3A_60, %get3A_61] : memref<2x1024xf32, #tpu.memory_space<vmem>>, vector<1x1024xf32>
    %mul3A = vector.broadcast %get3A_62 : vector<1x1024xf32> to vector<4x1024xf32>
    %mul3A_63 = arith.mulf %concatenate3A_59, %mul3A : vector<4x1024xf32>
    %broadcast_in_dim3A_64 = arith.constant 0.000000e+00 : f32
    %broadcast_in_dim3A_65 = vector.broadcast %broadcast_in_dim3A_64 : f32 to vector<4x32xf32>
    %slice3A_66 = vector.extract_strided_slice %transpose3A {offsets = [0, 0], sizes = [4, 992], strides = [1, 1]} : vector<4x1024xf32> to vector<4x992xf32>
    %concatenate3A_67 = tpu.concatenate %broadcast_in_dim3A_65, %slice3A_66 in 1 : vector<4x32xf32>, vector<4x992xf32> -> vector<4x1024xf32>
    %broadcast_in_dim3A_68 = arith.constant 0.000000e+00 : f32
    %broadcast_in_dim3A_69 = vector.broadcast %broadcast_in_dim3A_68 : f32 to vector<4x31xf32>
    %slice3A_70 = vector.extract_strided_slice %transpose3A {offsets = [0, 0], sizes = [4, 993], strides = [1, 1]} : vector<4x1024xf32> to vector<4x993xf32>
    %concatenate3A_71 = tpu.concatenate %broadcast_in_dim3A_69, %slice3A_70 in 1 : vector<4x31xf32>, vector<4x993xf32> -> vector<4x1024xf32>
    %get3A_72 = arith.constant 1 : index
    %get3A_73 = arith.constant 0 : index
    %get3A_74 = vector.load %arg9[%get3A_72, %get3A_73] : memref<2x1024xf32, #tpu.memory_space<vmem>>, vector<1x1024xf32>
    %mul3A_75 = vector.broadcast %get3A_74 : vector<1x1024xf32> to vector<4x1024xf32>
    %mul3A_76 = arith.mulf %concatenate3A_71, %mul3A_75 : vector<4x1024xf32>
    %broadcast_in_dim3A_77 = arith.constant 0.000000e+00 : f32
    %broadcast_in_dim3A_78 = vector.broadcast %broadcast_in_dim3A_77 : f32 to vector<4x1xf32>
    %slice3A_79 = vector.extract_strided_slice %transpose3A {offsets = [0, 0], sizes = [4, 1023], strides = [1, 1]} : vector<4x1024xf32> to vector<4x1023xf32>
    %concatenate3A_80 = tpu.concatenate %broadcast_in_dim3A_78, %slice3A_79 in 1 : vector<4x1xf32>, vector<4x1023xf32> -> vector<4x1024xf32>
    %get3A_81 = arith.constant 0 : index
    %get3A_82 = arith.constant 0 : index
    %get3A_83 = vector.load %arg9[%get3A_81, %get3A_82] : memref<2x1024xf32, #tpu.memory_space<vmem>>, vector<1x1024xf32>
    %mul3A_84 = vector.broadcast %get3A_83 : vector<1x1024xf32> to vector<4x1024xf32>
    %mul3A_85 = arith.mulf %concatenate3A_80, %mul3A_84 : vector<4x1024xf32>
    %slice3A_86 = vector.extract_strided_slice %transpose3A {offsets = [0, 1], sizes = [4, 1023], strides = [1, 1]} : vector<4x1024xf32> to vector<4x1023xf32>
    %broadcast_in_dim3A_87 = arith.constant 0.000000e+00 : f32
    %broadcast_in_dim3A_88 = vector.broadcast %broadcast_in_dim3A_87 : f32 to vector<4x1xf32>
    %concatenate3A_89 = tpu.concatenate %slice3A_86, %broadcast_in_dim3A_88 in 1 : vector<4x1023xf32>, vector<4x1xf32> -> vector<4x1024xf32>
    %get3A_90 = arith.constant 1 : index
    %get3A_91 = arith.constant 0 : index
    %get3A_92 = vector.load %arg9[%get3A_90, %get3A_91] : memref<2x1024xf32, #tpu.memory_space<vmem>>, vector<1x1024xf32>
    %mul3A_93 = vector.broadcast %get3A_92 : vector<1x1024xf32> to vector<4x1024xf32>
    %mul3A_94 = arith.mulf %concatenate3A_89, %mul3A_93 : vector<4x1024xf32>
    %slice3A_95 = vector.extract_strided_slice %transpose3A {offsets = [0, 31], sizes = [4, 993], strides = [1, 1]} : vector<4x1024xf32> to vector<4x993xf32>
    %broadcast_in_dim3A_96 = arith.constant 0.000000e+00 : f32
    %broadcast_in_dim3A_97 = vector.broadcast %broadcast_in_dim3A_96 : f32 to vector<4x31xf32>
    %concatenate3A_98 = tpu.concatenate %slice3A_95, %broadcast_in_dim3A_97 in 1 : vector<4x993xf32>, vector<4x31xf32> -> vector<4x1024xf32>
    %get3A_99 = arith.constant 0 : index
    %get3A_100 = arith.constant 0 : index
    %get3A_101 = vector.load %arg9[%get3A_99, %get3A_100] : memref<2x1024xf32, #tpu.memory_space<vmem>>, vector<1x1024xf32>
    %mul3A_102 = vector.broadcast %get3A_101 : vector<1x1024xf32> to vector<4x1024xf32>
    %mul3A_103 = arith.mulf %concatenate3A_98, %mul3A_102 : vector<4x1024xf32>
    %slice3A_104 = vector.extract_strided_slice %transpose3A {offsets = [0, 32], sizes = [4, 992], strides = [1, 1]} : vector<4x1024xf32> to vector<4x992xf32>
    %broadcast_in_dim3A_105 = arith.constant 0.000000e+00 : f32
    %broadcast_in_dim3A_106 = vector.broadcast %broadcast_in_dim3A_105 : f32 to vector<4x32xf32>
    %concatenate3A_107 = tpu.concatenate %slice3A_104, %broadcast_in_dim3A_106 in 1 : vector<4x992xf32>, vector<4x32xf32> -> vector<4x1024xf32>
    %slice3A_108 = vector.extract_strided_slice %transpose3A {offsets = [0, 33], sizes = [4, 991], strides = [1, 1]} : vector<4x1024xf32> to vector<4x991xf32>
    %broadcast_in_dim3A_109 = arith.constant 0.000000e+00 : f32
    %broadcast_in_dim3A_110 = vector.broadcast %broadcast_in_dim3A_109 : f32 to vector<4x33xf32>
    %concatenate3A_111 = tpu.concatenate %slice3A_108, %broadcast_in_dim3A_110 in 1 : vector<4x991xf32>, vector<4x33xf32> -> vector<4x1024xf32>
    %get3A_112 = arith.constant 1 : index
    %get3A_113 = arith.constant 0 : index
    %get3A_114 = vector.load %arg9[%get3A_112, %get3A_113] : memref<2x1024xf32, #tpu.memory_space<vmem>>, vector<1x1024xf32>
    %mul3A_115 = vector.broadcast %get3A_114 : vector<1x1024xf32> to vector<4x1024xf32>
    %mul3A_116 = arith.mulf %concatenate3A_111, %mul3A_115 : vector<4x1024xf32>
    %concatenate3A_117 = tpu.concatenate %mul3A_63, %concatenate3A_67, %mul3A_76, %mul3A_85, %transpose3A, %mul3A_94, %mul3A_103, %concatenate3A_107, %mul3A_116 in 0 : vector<4x1024xf32>, vector<4x1024xf32>, vector<4x1024xf32>, vector<4x1024xf32>, vector<4x1024xf32>, vector<4x1024xf32>, vector<4x1024xf32>, vector<4x1024xf32>, vector<4x1024xf32> -> vector<36x1024xf32>
    %get3A_118 = arith.constant 0 : index
    %get3A_119 = arith.constant 0 : index
    %get3A_120 = vector.load %arg4[%get3A_118, %get3A_119] : memref<36x320xf32, #tpu.memory_space<vmem>>, vector<36x320xf32>
    %dot_general3A = arith.constant dense<0.000000e+00> : vector<1024x320xf32>
    %dot_general3A_121 = tpu.matmul %concatenate3A_117, %get3A_120, %dot_general3A {dimension_numbers = #tpu.dot_dimension_numbers<[0], [0], [1], [1], [0, 1, 1, 1], [], []>, transpose_lhs_hint = false} : vector<36x1024xf32>, vector<36x320xf32>, vector<1024x320xf32> -> vector<1024x320xf32>
    %get3A_122 = arith.constant 0 : index
    %get3A_123 = arith.constant 0 : index
    %get3A_124 = vector.load %arg5[%get3A_122, %get3A_123] : memref<1x320xf32, #tpu.memory_space<vmem>>, vector<1x320xf32>
    %add3A_125 = vector.broadcast %get3A_124 : vector<1x320xf32> to vector<1024x320xf32>
    %add3A_126 = arith.addf %dot_general3A_121, %add3A_125 : vector<1024x320xf32>
    %logistic3A = arith.negf %add3A_126 : vector<1024x320xf32>
    %logistic3A_127 = math.exp %logistic3A : vector<1024x320xf32>
    %logistic3A_128 = arith.constant 1.000000e+00 : f32
    %logistic3A_129 = vector.broadcast %logistic3A_128 : f32 to vector<1024x320xf32>
    %logistic3A_130 = arith.addf %logistic3A_129, %logistic3A_127 : vector<1024x320xf32>
    %logistic3A_131 = arith.divf %logistic3A_129, %logistic3A_130 : vector<1024x320xf32>
    %mul3A_132 = arith.mulf %add3A_126, %logistic3A_131 : vector<1024x320xf32>
    %get3A_133 = arith.constant 0 : index
    %get3A_134 = arith.constant 0 : index
    %get3A_135 = vector.load %arg6[%get3A_133, %get3A_134] : memref<320x1xf32, #tpu.memory_space<vmem>>, vector<320x1xf32>
    %dot_general3A_136 = arith.constant dense<0.000000e+00> : vector<1024x1xf32>
    %dot_general3A_137 = tpu.matmul %get3A_55, %get3A_135, %dot_general3A_136 {dimension_numbers = #tpu.dot_dimension_numbers<[1], [0], [0], [1], [0, 0, 1, 1], [], []>, transpose_lhs_hint = false} : vector<1024x320xf32>, vector<320x1xf32>, vector<1024x1xf32> -> vector<1024x1xf32>
    %get3A_138 = arith.constant 0 : index
    %get3A_139 = arith.constant 0 : index
    %get3A_140 = vector.load %arg7[%get3A_138, %get3A_139] : memref<320x1xf32, #tpu.memory_space<vmem>>, vector<320x1xf32>
    %dot_general3A_141 = arith.constant dense<0.000000e+00> : vector<1024x1xf32>
    %dot_general3A_142 = tpu.matmul %mul3A_132, %get3A_140, %dot_general3A_141 {dimension_numbers = #tpu.dot_dimension_numbers<[1], [0], [0], [1], [0, 0, 1, 1], [], []>, transpose_lhs_hint = false} : vector<1024x320xf32>, vector<320x1xf32>, vector<1024x1xf32> -> vector<1024x1xf32>
    %add3A_143 = arith.addf %dot_general3A_137, %dot_general3A_142 : vector<1024x1xf32>
    %get3A_144 = arith.constant 0 : index
    %get3A_145 = arith.constant 0 : index
    %get3A_146 = vector.load %arg8[%get3A_144, %get3A_145] : memref<1x1xf32, #tpu.memory_space<vmem>>, vector<1x1xf32>
    %add3A_147 = vector.broadcast %get3A_146 : vector<1x1xf32> to vector<1024x1xf32>
    %add3A_148 = arith.addf %add3A_143, %add3A_147 : vector<1024x1xf32>
    %logistic3A_149 = arith.negf %add3A_148 : vector<1024x1xf32>
    %logistic3A_150 = math.exp %logistic3A_149 : vector<1024x1xf32>
    %logistic3A_151 = arith.constant 1.000000e+00 : f32
    %logistic3A_152 = vector.broadcast %logistic3A_151 : f32 to vector<1024x1xf32>
    %logistic3A_153 = arith.addf %logistic3A_152, %logistic3A_150 : vector<1024x1xf32>
    %logistic3A_154 = arith.divf %logistic3A_152, %logistic3A_153 : vector<1024x1xf32>
    %mul3A_155 = vector.broadcast %logistic3A_154 : vector<1024x1xf32> to vector<1024x320xf32>
    %mul3A_156 = arith.mulf %mul3A_155, %mul3A_132 : vector<1024x320xf32>
    %add3A_157 = arith.addf %get3A_55, %mul3A_156 : vector<1024x320xf32>
    %swap3A = arith.constant 0 : index
    %swap3A_158 = arith.constant 0 : index
    %swap3A_159 = arith.constant 0 : index
    %swap3A_160 = vector.load %arg10[%swap3A, %swap3A_158, %swap3A_159] : memref<1x1024x320xf32, #tpu.memory_space<vmem>>, vector<1x1024x320xf32>
    %swap3A_161 = vector.shape_cast %swap3A_160 : vector<1x1024x320xf32> to vector<1024x320xf32>
    %swap3A_162 = vector.shape_cast %add3A_157 : vector<1024x320xf32> to vector<1x1024x320xf32>
    tpu.vector_store %arg10[%swap3A, %swap3A_158, %swap3A_159], %swap3A_162 {strides = array<i32>} : memref<1x1024x320xf32, #tpu.memory_space<vmem>>, vector<1x1024x320xf32>,
    return
  }
  func.func @transform_0(%arg0: i32, %arg1: memref<32xi32, #tpu.memory_space<smem>>) -> (i32, i32, i32) {
    %get3A = arith.index_cast %arg0 : i32 to index
    %get3A_0 = memref.load %arg1[%get3A] : memref<32xi32, #tpu.memory_space<smem>>
    %jit3A = arith.constant 128 : i32
    %div3A = arith.divsi %get3A_0, %jit3A : i32
    %sign3A = arith.constant 0 : i32
    %sign3A_1 = arith.cmpi sgt, %get3A_0, %sign3A : i32
    %sign3A_2 = arith.extui %sign3A_1 : i1 to i32
    %sign3A_3 = arith.constant 0 : i32
    %sign3A_4 = arith.cmpi slt, %get3A_0, %sign3A_3 : i32
    %sign3A_5 = arith.extui %sign3A_4 : i1 to i32
    %sign3A_6 = arith.subi %sign3A_2, %sign3A_5 : i32
    %sign3A_7 = arith.constant 0 : i32
    %sign3A_8 = arith.cmpi sgt, %jit3A, %sign3A_7 : i32
    %sign3A_9 = arith.extui %sign3A_8 : i1 to i32
    %sign3A_10 = arith.constant 0 : i32
    %sign3A_11 = arith.cmpi slt, %jit3A, %sign3A_10 : i32
    %sign3A_12 = arith.extui %sign3A_11 : i1 to i32
    %sign3A_13 = arith.subi %sign3A_9, %sign3A_12 : i32
    %ne3A = arith.cmpi ne, %sign3A_6, %sign3A_13 : i32
    %rem3A = arith.remsi %get3A_0, %jit3A : i32
    %ne3A_14 = arith.constant 0 : i32
    %ne3A_15 = arith.cmpi ne, %rem3A, %ne3A_14 : i32
    %and3A = arith.andi %ne3A, %ne3A_15 : i1
    %sub3A = arith.constant 1 : i32
    %sub3A_16 = arith.subi %div3A, %sub3A : i32
    %select_n3A = arith.select %and3A, %sub3A_16, %div3A : i32
    %c0_i32 = arith.constant 0 : i32
    %c0_i32_17 = arith.constant 0 : i32
    %c0_i32_18 = arith.constant 0 : i32
    return %c0_i32, %c0_i32_17, %select_n3A : i32, i32, i32
  }
  func.func @transform_1(%arg0: i32, %arg1: memref<32xi32, #tpu.memory_space<smem>>) -> (i32, i32, i32) {
    %c0_i32 = arith.constant 0 : i32
    %c0_i32_0 = arith.constant 0 : i32
    %c0_i32_1 = arith.constant 0 : i32
    return %arg0, %c0_i32, %c0_i32_0 : i32, i32, i32
  }
  func.func @transform_2(%arg0: i32, %arg1: memref<32xi32, #tpu.memory_space<smem>>) -> (i32, i32) {
    %c0_i32 = arith.constant 0 : i32
    %c0_i32_0 = arith.constant 0 : i32
    %c0_i32_1 = arith.constant 0 : i32
    return %c0_i32, %c0_i32_0 : i32, i32
  }
  func.func @transform_3(%arg0: i32, %arg1: memref<32xi32, #tpu.memory_space<smem>>) -> (i32, i32) {
    %c0_i32 = arith.constant 0 : i32
    %c0_i32_0 = arith.constant 0 : i32
    %c0_i32_1 = arith.constant 0 : i32
    return %c0_i32, %c0_i32_0 : i32, i32
  }
  func.func @transform_4(%arg0: i32, %arg1: memref<32xi32, #tpu.memory_space<smem>>) -> (i32, i32) {
    %c0_i32 = arith.constant 0 : i32
    %c0_i32_0 = arith.constant 0 : i32
    %c0_i32_1 = arith.constant 0 : i32
    return %c0_i32, %c0_i32_0 : i32, i32
  }
  func.func @transform_5(%arg0: i32, %arg1: memref<32xi32, #tpu.memory_space<smem>>) -> (i32, i32) {
    %c0_i32 = arith.constant 0 : i32
    %c0_i32_0 = arith.constant 0 : i32
    %c0_i32_1 = arith.constant 0 : i32
    return %c0_i32, %c0_i32_0 : i32, i32
  }
  func.func @transform_6(%arg0: i32, %arg1: memref<32xi32, #tpu.memory_space<smem>>) -> (i32, i32) {
    %c0_i32 = arith.constant 0 : i32
    %c0_i32_0 = arith.constant 0 : i32
    %c0_i32_1 = arith.constant 0 : i32
    return %c0_i32, %c0_i32_0 : i32, i32
  }
  func.func @transform_7(%arg0: i32, %arg1: memref<32xi32, #tpu.memory_space<smem>>) -> (i32, i32) {
    %c0_i32 = arith.constant 0 : i32
    %c0_i32_0 = arith.constant 0 : i32
    %c0_i32_1 = arith.constant 0 : i32
    return %c0_i32, %c0_i32_0 : i32, i32
  }
  func.func @transform_8(%arg0: i32, %arg1: memref<32xi32, #tpu.memory_space<smem>>) -> (i32, i32, i32) {
    %c0_i32 = arith.constant 0 : i32
    %c0_i32_0 = arith.constant 0 : i32
    %c0_i32_1 = arith.constant 0 : i32
    return %arg0, %c0_i32, %c0_i32_0 : i32, i32, i32
  }
}

</mosaic_0001>

<sc_bundles>
// kernel: kernel.5.cloned.1.call-start
scs
__scs_entry_jumppad:
0x0: {  	(pc) =	sbr.rel $0x88, $3  }
0x1: {  	(tag) =	ssettag $0x0;
	lr =	simm.s32 $0x1  }
0x2: {  	[smem:$0x3F99] =	sst lr;
	_ =	strace $0xD0000000  }
0x3: {  	_ = 	snop  }
0x4: {  	_ = 	snop  }
0x5: {  	_ = 	snop  }
0x6: {  	_ = 	snop  }
0x7: {  	_ = 	snop  }
__scs_overlays_trampoline_lowered:
0x8: {  	[smem:$0x3FA8] =	sst s0  }
0x9: {  	[smem:$0x3FA9] =	sst s1  }
0xa: {  	[smem:$0x3FAA] =	sst s2  }
0xb: {  	[smem:$0x3FAB] =	sst s3  }
0xc: {  	[smem:$0x3FAC] =	sst s4  }
0xd: {  	[smem:$0x3FAD] =	sst s5  }
0xe: {  	[smem:$0x3FAE] =	sst s6  }
0xf: {  	[smem:$0x3FAF] =	sst s7  }
0x10: {  	[smem:$0x3FB0] =	sst s8  }
0x11: {  	[smem:$0x3FB1] =	sst s9;
	s0 =	simm.s32 @!p0 $0x0  }
0x12: {  	s1 =	sld [smem:$0x3F97];
	s0 =	simm.s32 @p0 $0x1  }
0x13: {  	[smem:$0x3FB2] =	sst s0;
	s0 =	simm.s32 @!p1 $0x0  }
0x14: {  	s2 =	sld [smem:$0x3F96];
	s0 =	simm.s32 @p1 $0x1  }
0x15: {  	[smem:$0x3FB3] =	sst s0;
	s0 =	simm.s32 @!p2 $0x0  }
0x16: {  	s3 =	sld [smem:$0x3FDB];
	s0 =	simm.s32 @p2 $0x1  }
0x17: {  	s4 =	simm.s32 $0x1BF5;
	[smem:$0x3FB5] =	sst s0  }
0x18: {  	s0 =	sld [smem:$0x3F98];
	_ =	swait.ge [sflag:s4], $0x0  }
0x19: {  	s7 =	sld [smem:$0x3F99]  }
0x1a: {  	s8 =	sadd.s32 $0xFFFFE003, lr  }
0x1b: {  	s9 =	sadd.s32 $0xFFFFFEF7, lr;
	s5 =	simm.s32 $0xFFFFFFFF;
	p2 =	slt.u32 s8, $0xFFFFF086  }
0x1c: {  	p1 =	slt.u32 s9, $0xF7A;
	s5 =	simm.s32 @!p2 $0x0  }
0x1d: {  	s5 =	simm.s32 @p1 $0x1;
	p0 =	seq.s32 s7, s2  }
0x1e: {  	s7 =	smul.u32 @!p0 $0xF7A, s2;
	p2 =	seq.s32 @!p0 s5, $0x0  }
0x1f: {  	s9 =	smul.u32 $0xF7A, s1;
	s8 =	simm.s32 @!p0 $0x1BF5;
	p2 =	por !p2, p0  }
0x20: {  	[sflag:s8] =	ssyncset.s32 @!p0 $0xFFFFF086;
	s6 =	sadd.s32 @!p0 s3, s7;
	s7 =	simm.s32 @!p0 $0x108  }
0x21: {  	s3 =	sadd.s32 s3, s9;
	s6 =	sadd.s32 @!p0 $0x88, s6;
	s7 =	simm.s32 @p2 $0x1082  }
0x22: {  	[simem:s7], [sflag:s8] =	dma.local @!p0 [hbm:s6], $0xF7A  }
0x23: {  	s9 =	sor.u32 $0xD0000000, s2;
	s6 =	simm.s32 $0x108;
	_ =	swait.ge @!p0 [sflag:s8], $0x0  }
0x24: {  	s3 =	sadd.s32 $0x88, s3;
	s6 =	simm.s32 @!p1 $0x1082;
	[sflag:s4] =	ssyncset.s32 $0xFFFFF086  }
0x25: {  	[simem:s6], [sflag:s4] =	dma.local [hbm:s3], $0xF7A  }
0x26: {  	[smem:$0x3F99] =	sst s1;
	(tag) =	ssettag s2;
	_ =	strace s9  }
0x27: {  	s1 =	sld [smem:$0x3FA9]  }
0x28: {  	s2 =	sld [smem:$0x3FAA]  }
0x29: {  	s4 =	sld [smem:$0x3FAC]  }
0x2a: {  	p0 =	seq.s32 s5, $0x0;
	s5 =	sld [smem:$0x3FAD]  }
0x2b: {  	s6 =	sld [smem:$0x3FAE]  }
0x2c: {  	s7 =	sld [smem:$0x3FAF]  }
0x2d: {  	s3 =	simm.s32 $0x108;
	s8 =	sld [smem:$0x3FB0]  }
0x2e: {  	s3 =	simm.s32 @!p0 $0x1082;
	s9 =	sld [smem:$0x3FB1]  }
0x2f: {  	lr =	sadd.s32 s0, s3;
	s0 =	sld [smem:$0x3FA8]  }
0x30: {  	s3 =	sld [smem:$0x3FAB]  }
0x31: {  	[smem:$0x3FB4] =	sst s10  }
0x32: {  	s10 =	sld [smem:$0x3FB2];
	_ =	sdelay $0x3  }
0x33: {  	p0 =	seq.s32 s10, $0x1;
	s10 =	sld [smem:$0x3FB4];
	_ =	sdelay $0x3  }
0x34: {  	[smem:$0x3FB4] =	sst s10  }
0x35: {  	s10 =	sld [smem:$0x3FB3];
	_ =	sdelay $0x3  }
0x36: {  	p1 =	seq.s32 s10, $0x1;
	s10 =	sld [smem:$0x3FB4];
	_ =	sdelay $0x3  }
0x37: {  	[smem:$0x3FB4] =	sst s10  }
0x38: {  	s10 =	sld [smem:$0x3FB5]  }
0x39: {  	_ = 	snop;
	(pc) =	sbr.ind lr, $3  }
0x3a: {  	_ = 	snop  }
0x3b: {  	_ = 	snop  }
0x3c: {  	p2 =	seq.s32 s10, $0x1;
	s10 =	sld [smem:$0x3FB4]  }
0x3d: {  	_ =	shalt  }
0x3e: {  	_ =	shalt  }
0x3f: {  	_ =	shalt  }
0x40: {  	_ =	shalt  }
0x41: {  	_ =	shalt  }
0x42: {  	_ =	shalt  }
0x43: {  	_ =	shalt  }
0x44: {  	_ =	shalt  }
0x45: {  	_ =	shalt  }
0x46: {  	_ =	shalt  }
0x47: {  	_ =	shalt  }
0x48: {  	_ =	shalt  }
0x49: {  	_ =	shalt  }
0x4a: {  	_ =	shalt  }
0x4b: {  	_ =	shalt  }
0x4c: {  	_ =	shalt  }
0x4d: {  	_ =	shalt  }
0x4e: {  	_ =	shalt  }
0x4f: {  	_ =	shalt  }
0x50: {  	_ =	shalt  }
0x51: {  	_ =	shalt  }
0x52: {  	_ =	shalt  }
0x53: {  	_ =	shalt  }
0x54: {  	_ =	shalt  }
0x55: {  	_ =	shalt  }
0x56: {  	_ =	shalt  }
0x57: {  	_ =	shalt  }
0x58: {  	_ =	shalt  }
0x59: {  	_ =	shalt  }
0x5a: {  	_ =	shalt  }
0x5b: {  	_ =	shalt  }
0x5c: {  	_ =	shalt  }
0x5d: {  	_ =	shalt  }
0x5e: {  	_ =	shalt  }
0x5f: {  	_ =	shalt  }
0x60: {  	_ =	shalt  }
0x61: {  	_ =	shalt  }
0x62: {  	_ =	shalt  }
0x63: {  	_ =	shalt  }
0x64: {  	_ =	shalt  }
0x65: {  	_ =	shalt  }
0x66: {  	_ =	shalt  }
0x67: {  	_ =	shalt  }
0x68: {  	_ =	shalt  }
0x69: {  	_ =	shalt  }
0x6a: {  	_ =	shalt  }
0x6b: {  	_ =	shalt  }
0x6c: {  	_ =	shalt  }
0x6d: {  	_ =	shalt  }
0x6e: {  	_ =	shalt  }
0x6f: {  	_ =	shalt  }
0x70: {  	_ =	shalt  }
0x71: {  	_ =	shalt  }
0x72: {  	_ =	shalt  }
0x73: {  	_ =	shalt  }
0x74: {  	_ =	shalt  }
0x75: {  	_ =	shalt  }
0x76: {  	_ =	shalt  }
0x77: {  	_ =	shalt  }
0x78: {  	_ =	shalt  }
0x79: {  	_ =	shalt  }
0x7a: {  	_ =	shalt  }
0x7b: {  	_ =	shalt  }
0x7c: {  	_ =	shalt  }
0x7d: {  	_ =	shalt  }
0x7e: {  	_ =	shalt  }
0x7f: {  	_ =	shalt  }
0x80: {  	_ =	shalt  }
0x81: {  	_ =	shalt  }
0x82: {  	_ =	shalt  }
0x83: {  	_ =	shalt  }
0x84: {  	_ =	shalt  }
0x85: {  	_ =	shalt  }
0x86: {  	_ =	shalt  }
0x87: {  	_ =	shalt  }
.Lfunc_end0:
.L_simem_size_0:
called_computation_lowered:
.L_overlay_start_0:
0x88: {  	s2 =	sld [smem:$0x3FD9]  }
0x89: {  	s3 =	sld [smem:$0x3FFE];
	_ =	sdelay $0x1  }
0x8a: {  	s1 =	srdreg.scid  }
0x8b: {  	s0 =	sand.u32 $0x1, s1  }
0x8c: {  	s17 =	sshll.u32 s0, $0xA;
	s2 =	sadd.s32 s3, s2  }
0x8d: {  	s2 =	sadd.s32 s2, s17  }
0x8e: {  	[smem:$0x3FC0] =	sst s2  }
0x8f: {  	_ = 	snop  }
0x90: {  	s2 =	sld [smem:$0x3FD0];
	(tm) =	ssettm $0x1  }
0x91: {  	s18 =	sld [smem:$0x3FFB];
	_ =	sdelay $0x3  }
0x92: {  	_ =	strace s18  }
0x93: {  	s3 =	sld [smem:$0x3FFC];
	_ =	sdelay $0x3  }
0x94: {  	_ =	strace s3  }
0x95: {  	s3 =	sld [smem:$0x3FFD];
	_ =	sdelay $0x3  }
0x96: {  	_ =	strace s3  }
0x97: {  	_ =	strace $0x8FFFFFFF  }
0x98: {  	s19 =	sld [smem:$0x3FDB];
	_ =	sdelay $0x1  }
0x99: {  	s4 =	simm.s32 $_scs_section_size  }
0x9a: {  	s5 =	simm.s32 $_size__tile_overlayer_lowered;
	s6 =	simm.s32 $_tile_overlayer_lowered  }
0x9b: {  	s22 =	simm.s32 $0x1BFF;
	s21 =	sshll.u32 s6, $0x1;
	s3 =	sadd.s32 s4, s19  }
0x9c: {  	s7 =	simm.s32 $0x0;
	s20 =	sshll.u32 s5, $0x1;
	s5 =	sadd.s32 s21, s3  }
0x9d: {  	[timem:s7], [sflag:s22] =	dma.local [hbm:s5], s20  }
0x9e: {  	_ =	swait.ge [sflag:s22], s20  }
0x9f: {  	s4 =	ssub.s32 $0x0, s20;
	[sflag:s22] =	ssyncset.done $0x0  }
0xa0: {  	[sflag:s22] =	ssyncadd.s32 s4;
	_ =	sdelay $0x1  }
0xa1: {  	s23 =	simm.s32 $0x1B8B  }
0xa2: {  	_ =	swait.ge [sflag:s23], $0x1  }
0xa3: {  	[sflag:s23] =	ssyncset.done $0x0  }
0xa4: {  	s25 =	simm.s32 $0x1B8E;
	s24 =	sld [smem:$0x3FFE];
	[sflag:s23] =	ssyncadd.s32 $0xFFFFFFFF  }
0xa5: {  	s26 =	simm.s32 $execute0_lowered;
	[smem:$0x3FD2] =	sst s25  }
0xa6: {  	s5 =	sshll.u32 s26, $0x1;
	_ =	strace $0x80000046;
	[dreg:$0x1] =	wrdreg $0xFFFFFFFF  }
0xa7: {  	s28 =	simm.s32 $_size_execute0_lowered;
	s3 =	sadd.s32 s3, s5;
	[dreg:$0x0] =	wrdreg $0x0  }
0xa8: {  	s5 =	sshll.u32 s28, $0x1;
	[dreg:$0x2] =	wrdreg s3  }
0xa9: {  	[dreg:$0x3] =	wrdreg s5  }
0xaa: {  	[dreg:$0x4] =	wrdreg $0xC0  }
0xab: {  	_ =	task [dreg:s7], $0x5FFFF  }
0xac: {  	[dreg:$0x1] =	wrdreg $0xFFFFFFFF  }
0xad: {  	[dreg:$0x0] =	wrdreg $0x60  }
0xae: {  	[dreg:$0x2] =	wrdreg s2  }
0xaf: {  	[dreg:$0x3] =	wrdreg s24  }
0xb0: {  	[dreg:$0x4] =	wrdreg $0x9  }
0xb1: {  	_ =	task.clear_ibuf [dreg:s7], $0x5FFFF;
	_ =	strace $0x90000046  }
0xb2: {  	s29 =	simm.s32 $0x9;
	_ =	strace $0x80000048  }
0xb3: {  	_ =	swait.ge [sflag:s29], $0x1  }
0xb4: {  	[sflag:s29] =	ssyncadd.s32 $0xFFFFFFFF  }
0xb5: {  	_ =	strace $0x90000048  }
0xb6: {  	_ =	sfence  }
0xb7: {  	s30 =	sld [smem:$0x0];
	_ =	sdelay $0x2  }
0xb8: {  	s31 =	sshll.u32 s1, $0xD;
	s1 =	sshrl.u32 s1, $0x2  }
0xb9: {  	s3 =	sand.u32 $0x4000, s31;
	s1 =	sadd.s32 s1, s30  }
0xba: {  	s0 =	sor.u32 s3, s0;
	s1 =	sshll.u32 s1, $0x11  }
0xbb: {  	s0 =	sor.u32 s1, s0  }
0xbc: {  	s0 =	sadd.s32 $0x8F2B, s0  }
0xbd: {  	[sflag:s0] =	ssyncadd.remote.s32 $0x1  }
0xbe: {  	_ =	sfence.sel $0xFFFF  }
0xbf: {  	[dreg:$0x0] =	wrdreg $0xFFFFFFFF;
	(pc) =	sbr.abs _section_cstart, $3  }
0xc0: {  	[dreg:$0x1] =	wrdreg $0xFFFFFFFF  }
0xc1: {  	_ =	task.clear_ibuf [dreg:s7], $0x2FFFF;
	_ =	strace $0x9FFFFFFF  }
0xc2: {  	(tm) =	ssettm $0x7FFFFFFF  }
0xc3: {  	_ =	shalt  }
tec
execute0_lowered:
.L_overlay_start_1:
0x0: {  	(tag) =	ssettag $0x1  }
0x1: {  	v0 =	vimm.s32 $0xFEDCBA98;
	v1 =	vimm.s32 $0x76543210  }
0x2: {  	v2 =	vimm.s32 $0xBA98FEDC;
	v3 =	vimm.s32 $0x32107654;
	v4 =	vimm.s32 $0xDCFE98BA  }
0x3: {  	s3 =	rddreg [dreg:$0x0];
	v5 =	vimm.s32 $0x54761032;
	v6 =	vimm.s32 $0xEFCDAB89;
	v7 =	vimm.s32 $0x67452301  }
0x4: {  	s4 =	rddreg [dreg:$0x1];
	v0 =	vunpack.c.l.s4.s8 v0;
	v1 =	vunpack.c.l.s4.s8 v1;
	v2 =	vunpack.c.l.s4.s8 v2  }
0x5: {  	s0 =	rddreg [dreg:$0x2];
	v3 =	vunpack.c.l.s4.s8 v3;
	v4 =	vunpack.c.l.s4.s8 v4;
	v5 =	vunpack.c.l.s4.s8 v5  }
0x6: {  	s5 =	srdreg.scid;
	s1 =	stileid.u32;
	v6 =	vunpack.c.l.s4.s8 v6;
	v7 =	vunpack.c.l.s4.s8 v7;
	v0 =	vunpack.c.0.s8.s32 v0  }
0x7: {  	s2 =	simm.s32 $0x0;
	s5 =	sand.u32 $0x1, s5;
	s6 =	sshll.u32 s1, $0x1;
	v2 =	vunpack.c.0.s8.s32 v2;
	v3 =	vunpack.c.0.s8.s32 v3;
	v4 =	vunpack.c.0.s8.s32 v4  }
0x8: {  	[smem:$0x7FF] =	sst s2;
	s6 =	sor.u32 s5, s6;
	s5 =	ssub.s32 $0x2, s5;
	v5 =	vunpack.c.0.s8.s32 v5;
	v6 =	vunpack.c.0.s8.s32 v6;
	v7 =	vunpack.c.0.s8.s32 v7  }
0x9: {  	s7 =	sshll.u32 s6, $0x1;
	s8 =	sshrl.u32 s5, $0x1;
	s6 =	smul.u32 $0x4E2, s6;
	v1 =	vunpack.c.0.s8.s32 v1;
	v2 =	vcombine.low v3, v2  }
0xa: {  	_ =	strace $0x80000047;
	s4 =	sadd.s32 s7, s4;
	s5 =	ssub.s32 s5, s8;
	v3 =	vcombine.low v5, v4;
	v4 =	vand.u32 $0xF, v0;
	v5 =	vcombine.low v7, v6  }
0xb: {  	s7 =	simm.s32 $0x2780;
	s8 =	simm.s32 $0x0;
	s3 =	sadd.s32 s3, s6;
	v0 =	vlaneseq.u32;
	v1 =	vcombine.low v4, v1  }
0xc: {  	s4 =	sadd.s32 $0xC00, s4;
	s5 =	smax.u32 s5, $0x1;
	s6 =	simm.s32 $0x1;
	v2 =	vand.u32 $0xF, v2;
	v3 =	vand.u32 $0xF, v3;
	v4 =	vand.u32 $0xF, v5  }
.LBB2_1:
0xd: {  	[tilespmem:s2], [sflag:$0x1] =	stream.linear.gather [hbm4b:s3+s2], $0x2710, $0x38;
	[tilespmem:$0x2800] =	vst v63  }
0xe: {  	_ =	swait.ge [sflag:s6], $0x2710  }
0xf: {  	[sflag:s6] =	ssyncset.done $0x0  }
0x10: {  	[sflag:s6] =	ssyncadd.s32 $0xFFFFD8F0  }
0x11: {  	v6 =	vld [tilespmem:s2+$0x0];
	_ =	sdelay $0x3  }
0x12: {  	v7 =	vimm.f32 $-Inf  }
0x13: {  	v5 =	vimm.s32 $0x0;
	s9 =	simm.s32 $0x10;
	v8 =	vor.u32 s2, v0;
	s10 =	simm.s32 $0x10;
	vm0 =	vgt.f32 v6, v7  }
.LBB2_2:
0x14: {  	p0 =	sne.s32 s9, $0x2700;
	v7 =	vsel vm0, v6, v7;
	v6 =	vld [tilespmem:s10+$0x0];
	v5 =	vsel vm0, v8, v5;
	s11 =	smov.u32 s9;
	s9 =	sadd.s32 $0x10, s9  }
.Ltmp0:
0x15: {  	(pc) =	sbr.rel @p0 .LBB2_2-.Ltmp0, $2  }
0x16: {  	_ =	sdelay $0x2  }
0x17: {  	s10 =	sadd.s32 $0x10, s10;
	v8 =	vor.u32 s11, v0;
	vm0 =	vgt.f32 v6, v7  }
0x18: {  	v6 =	vsel vm0, v6, v7  }
0x19: {  	v7 =	vperm.xlane v6, v1;
	_ =	sdelay $0x1  }
0x1a: {  	v7 =	vmax.f32 v6, v7  }
0x1b: {  	v9 =	vperm.xlane v7, v2;
	_ =	sdelay $0x1  }
0x1c: {  	v7 =	vmax.f32 v7, v9  }
0x1d: {  	v9 =	vperm.xlane v7, v3;
	_ =	sdelay $0x1  }
0x1e: {  	v7 =	vmax.f32 v7, v9  }
0x1f: {  	v9 =	vperm.xlane v7, v4;
	_ =	sdelay $0x1  }
0x20: {  	v7 =	vmax.f32 v7, v9  }
0x21: {  	v5 =	vsel vm0, v8, v5;
	vm15 =	vge.f32 v6, v7  }
0x22: {  	v5 =	vnsel vm15, $0x2710, v5  }
0x23: {  	v6 =	vperm.xlane v5, v1;
	_ =	sdelay $0x1  }
0x24: {  	vm0 =	vlt.s32 v5, v6  }
0x25: {  	v5 =	vsel vm0, v5, v6  }
0x26: {  	v6 =	vperm.xlane v5, v2;
	_ =	sdelay $0x1  }
0x27: {  	vm0 =	vlt.s32 v5, v6  }
0x28: {  	v5 =	vsel vm0, v5, v6  }
0x29: {  	v6 =	vperm.xlane v5, v3;
	_ =	sdelay $0x1  }
0x2a: {  	vm0 =	vlt.s32 v5, v6  }
0x2b: {  	v5 =	vsel vm0, v5, v6  }
0x2c: {  	v6 =	vperm.xlane v5, v4;
	_ =	sdelay $0x1  }
0x2d: {  	s8 =	sadd.s32 $0x1, s8;
	vm0 =	vlt.s32 v5, v6  }
0x2e: {  	p0 =	sne.s32 s8, s5;
	v5 =	vsel vm0, v5, v6  }
.Ltmp1:
0x2f: {  	[tilespmem:$0x2780] =	vst v5;
	(pc) =	sbr.rel @p0 .LBB2_1-.Ltmp1, $4  }
0x30: {  	[hbm4b:s4+s2] =	stream.linear.scatter [tilespmem:s7], [sflag:$0x1], $0x10, $0x38;
	[tilespmem:$0x2800] =	vst v63  }
0x31: {  	_ =	swait.ge [sflag:s6], $0x10  }
0x32: {  	[sflag:s6] =	ssyncset.done $0x0  }
0x33: {  	[sflag:s6] =	ssyncadd.s32 $0xFFFFFFF0  }
0x34: {  	_ =	sfence.sel $0x180000  }
0x35: {  	[bflag:$0x0] =	sbarrier.arrive $0xFFFF  }
0x36: {  	p0 =	sne.s32 s1, $0x0;
	_ =	strace $0x90000047  }
0x37: {  	s0 =	sadd.s32 @!p0 $0x100000, s0;
	[bflag:$0x2] =	sbarrier.arrive $0xFFFF  }
0x38: {  	[sflag:s0] =	ssyncadd.tile.s32 @!p0 $0x1;
	_ =	shalt  }
.Lfunc_end2:
_tile_overlayer_lowered:
.L_overlay_start_2:
0x39: {  	(tag) =	ssettag $0x2  }
0x3a: {  	s0 =	rddreg [dreg:$0x0];
	s2 =	stileid.u32  }
0x3b: {  	s1 =	rddreg [dreg:$0x1];
	p0 =	sne.s32 s2, $0x0  }
0x3c: {  	s3 =	rddreg [dreg:$0x2];
	[bflag:$0x3] =	sbarrier.arrive $0xFFFF;
	s2 =	simm.s32 @!p0 $0x1C01  }
0x3d: {  	[timem:s3], [sflag:s2] =	dma.local @!p0 [hbm:s0], s1  }
0x3e: {  	s0 =	simm.s32 @!p0 $0x1  }
0x3f: {  	_ =	swait.ge @!p0 [sflag:s0], s1  }
0x40: {  	s1 =	ssub.s32 @!p0 $0x0, s1;
	[sflag:s0] =	ssyncset.done @!p0 $0x0  }
0x41: {  	[sflag:s0] =	ssyncadd.s32 @!p0 s1  }
0x42: {  	[bflag:$0x3] =	sbarrier.arrive $0xFFFF  }
0x43: {  	_ =	shalt  }

</sc_bundles>
